<compile_context>
chip_gen: v7x
topology: tpu7x:2x2x1
jax: 0.10.2.dev20260603
libtpu: 0.0.44.dev20260713+nightly
codegen_flags: <defaults>
</compile_context>

<pallas_src>
import functools

import jax
import jax.numpy as jnp
from jax import lax
from jax.experimental import pallas as pl
from jax.experimental.pallas import tpu as pltpu
from jax.experimental.pallas import tpu_sc as plsc

NC = 2
NS = 16
NW = NC * NS
BATCH = 16384
VOCAB = 1000000
EMBED = 64
B_PER_W = BATCH // NW
CHUNK = 128
NCHUNK = B_PER_W // CHUNK
BLK = 40960
NBLK = 25
VP = NBLK * BLK


def _stage_a_body(tt_ref, w_ref, bh_ref, o0_ref, o1_ref, o2_ref, o3_ref):
    x = tt_ref[...]
    ss = jnp.sum(x * x, axis=0, keepdims=True)
    s = lax.rsqrt(jnp.maximum(ss, 1.0))
    p = lax.dot_general(w_ref[...], x, (((1,), (0,)), ((), ())),
                        preferred_element_type=jnp.float32)
    ps = p * s + bh_ref[...]
    o0_ref[...] = ps[0]
    o1_ref[...] = ps[1]
    o2_ref[...] = ps[2]
    o3_ref[...] = ps[3]


def _stage_a(tt, w4, bh):
    grid = (NBLK,)
    plane = jax.ShapeDtypeStruct((VP,), jnp.float32)
    return pl.pallas_call(
        _stage_a_body,
        grid=grid,
        in_specs=[
            pl.BlockSpec((EMBED, BLK), lambda i: (0, i)),
            pl.BlockSpec((8, EMBED), lambda i: (0, 0)),
            pl.BlockSpec((8, 1), lambda i: (0, 0)),
        ],
        out_specs=[pl.BlockSpec((BLK,), lambda i: (i,))] * 4,
        out_shape=[plane] * 4,
        compiler_params=pltpu.CompilerParams(
            dimension_semantics=("parallel",)),
    )(tt, w4, bh)


def _stage_b(p0, p1, p2, p3, head, tail):
    mesh = plsc.VectorSubcoreMesh(core_axis_name="c", subcore_axis_name="s")

    @functools.partial(
        pl.kernel,
        out_type=jax.ShapeDtypeStruct((2, BATCH), jnp.float32),
        mesh=mesh,
        scratch_types=[
            pltpu.VMEM((B_PER_W,), jnp.int32),
            pltpu.VMEM((B_PER_W,), jnp.int32),
            pltpu.VMEM((B_PER_W,), jnp.float32),
            pltpu.VMEM((B_PER_W,), jnp.float32),
            pltpu.VMEM((B_PER_W,), jnp.float32),
            pltpu.VMEM((B_PER_W,), jnp.float32),
            pltpu.VMEM((B_PER_W,), jnp.float32),
            pltpu.VMEM((B_PER_W,), jnp.float32),
            pltpu.SemaphoreType.DMA,
        ],
        compiler_params=pltpu.CompilerParams(use_tc_tiling_on_sc=False),
    )
    def k(p0_hbm, p1_hbm, p2_hbm, p3_hbm, h_hbm, t_hbm, out_hbm,
          hidx_v, tidx_v, g0_v, g1_v, g2_v, g3_v, o0_v, o1_v, sem):
        wid = lax.axis_index("s") * NC + lax.axis_index("c")
        base = wid * B_PER_W
        pltpu.sync_copy(h_hbm.at[pl.ds(base, B_PER_W)], hidx_v)
        pltpu.sync_copy(t_hbm.at[pl.ds(base, B_PER_W)], tidx_v)
        copies = []
        for c in range(NCHUNK):
            sl = pl.ds(c * CHUNK, CHUNK)
            copies.append(pltpu.async_copy(
                p0_hbm.at[hidx_v.at[sl]], g0_v.at[sl], sem))
            copies.append(pltpu.async_copy(
                p1_hbm.at[hidx_v.at[sl]], g1_v.at[sl], sem))
            copies.append(pltpu.async_copy(
                p2_hbm.at[tidx_v.at[sl]], g2_v.at[sl], sem))
            copies.append(pltpu.async_copy(
                p3_hbm.at[tidx_v.at[sl]], g3_v.at[sl], sem))
        for cp in copies:
            cp.wait()

        @pl.loop(0, B_PER_W, step=16)
        def _(i):
            sl = pl.ds(i, 16)
            o0_v[sl] = g0_v[sl] + g2_v[sl]
            o1_v[sl] = g1_v[sl] + g3_v[sl]

        pltpu.sync_copy(o0_v, out_hbm.at[0, pl.ds(base, B_PER_W)])
        pltpu.sync_copy(o1_v, out_hbm.at[1, pl.ds(base, B_PER_W)])

    return k(p0, p1, p2, p3, head, tail)


def kernel(head, tail, table, W, b):
    tt = table.T
    w4 = jnp.concatenate(
        [W[:, :EMBED], W[:, EMBED:], jnp.zeros((4, EMBED), jnp.float32)],
        axis=0)
    bh = (0.5 * jnp.concatenate([b, b, jnp.zeros((4,), jnp.float32)])
          ).reshape(8, 1)
    p0, p1, p2, p3 = _stage_a(tt, w4, bh)
    out_t = _stage_b(p0, p1, p2, p3, head, tail)
    return out_t.T

# --- scband reference (transcript-rebuilt; emitter-appended) ---
"""Pipeline reference for scband-retrofit-12764642803979 (READ-ONLY COPY).

The authoritative reference and input builder live on the scoring server;
editing this copy changes nothing except your own understanding.
"""

import jax, jax.numpy as jnp
import numpy as np

VOCAB = 1000000
EMBED_DIM = 64
BATCH = 16384
MAX_NORM = 1.0


def setup_inputs(seed: int = 0) -> dict:
    key = jax.random.key(seed)
    k1, k2, k3, k4, k5 = jax.random.split(key, 5)
    head = jax.random.randint(k1, (BATCH,), 0, VOCAB, dtype=jnp.int64 if jax.config.jax_enable_x64 else jnp.int32).astype(jnp.int32)
    tail = jax.random.randint(k2, (BATCH,), 0, VOCAB, dtype=jnp.int32)
    table = jax.random.normal(k3, (VOCAB, EMBED_DIM), dtype=jnp.float32)
    W = jax.random.normal(k4, (2, EMBED_DIM * 2), dtype=jnp.float32) * (1.0 / np.sqrt(EMBED_DIM * 2))
    b = jax.random.normal(k5, (2,), dtype=jnp.float32) * 0.01
    return {"head": head, "tail": tail, "table": table, "W": W, "b": b}


def _embed_max_norm(table, idx):
    # nn.Embedding(max_norm=1): rows with L2 norm > max_norm are rescaled to max_norm at lookup
    e = jnp.take(table, idx, axis=0)
    n = jnp.linalg.norm(e, axis=-1, keepdims=True)
    scale = jnp.where(n > MAX_NORM, MAX_NORM / jnp.maximum(n, 1e-12), 1.0)
    return e * scale


def reference(head, tail, table, W, b):
    head_embedding = _embed_max_norm(table, head)
    tail_embedding = _embed_max_norm(table, tail)
    embedded = jnp.concatenate((head_embedding, tail_embedding), axis=1)
    output = embedded @ W.T + b
    return output

if __name__ == "__main__":
    import jax
    _d = setup_inputs()
    print(jax.jit(kernel)(*tuple(_d.values())))

</pallas_src>

<mosaic_0001>
#map = affine_map<(d0, d1) -> (0)>
#map1 = affine_map<(d0, d1) -> (0, 0)>
module attributes {stable_mosaic.version = 14 : i64} {
  func.func @k(%arg0: i32, %arg1: i32, %arg2: memref<1024000xf32, #tpu.memory_space<hbm>>, %arg3: memref<1024000xf32, #tpu.memory_space<hbm>>, %arg4: memref<1024000xf32, #tpu.memory_space<hbm>>, %arg5: memref<1024000xf32, #tpu.memory_space<hbm>>, %arg6: memref<16384xi32, #tpu.memory_space<hbm>>, %arg7: memref<16384xi32, #tpu.memory_space<hbm>>, %arg8: memref<2x16384xf32, #tpu.memory_space<hbm>>, %arg9: memref<512xi32, #tpu.memory_space<vmem>>, %arg10: memref<512xi32, #tpu.memory_space<vmem>>, %arg11: memref<512xf32, #tpu.memory_space<vmem>>, %arg12: memref<512xf32, #tpu.memory_space<vmem>>, %arg13: memref<512xf32, #tpu.memory_space<vmem>>, %arg14: memref<512xf32, #tpu.memory_space<vmem>>, %arg15: memref<512xf32, #tpu.memory_space<vmem>>, %arg16: memref<512xf32, #tpu.memory_space<vmem>>, %arg17: memref<!tpu.dma_semaphore, #tpu.memory_space<semaphore_mem>>) attributes {dimension_semantics = [#tpu.dimension_semantics<core_parallel>, #tpu.dimension_semantics<subcore_parallel>], iteration_bounds = array<i64: 2, 16>, scalar_prefetch = 0 : i64, scratch_operands = 9 : i64, tpu.core_type = #tpu.core_type<sc_vector_subcore>, window_params = [{transform_indices = #map}, {transform_indices = #map}, {transform_indices = #map}, {transform_indices = #map}, {transform_indices = #map}, {transform_indices = #map}, {transform_indices = #map1}]} {
    %mul3A = arith.constant 2 : i32
    %mul3A_0 = arith.muli %arg1, %mul3A : i32
    %add3A = arith.addi %mul3A_0, %arg0 : i32
    %mul3A_1 = arith.constant 512 : i32
    %mul3A_2 = arith.muli %add3A, %mul3A_1 : i32
    "tpu.region"() ({
      %run_scoped3A_198 = tpu.sem_alloc : memref<!tpu.dma_semaphore, #tpu.memory_space<semaphore_mem>>
      %dma_start3A_199 = tpu.memref_slice %arg6[%mul3A_2] : memref<16384xi32, #tpu.memory_space<hbm>> -> memref<512xi32, #tpu.memory_space<hbm>>
      %dma_start3A_200 = tpu.memref_slice %arg6[%mul3A_2] : memref<16384xi32, #tpu.memory_space<hbm>> -> memref<512xi32, #tpu.memory_space<hbm>>
      tpu.enqueue_dma source(%dma_start3A_200 : memref<512xi32, #tpu.memory_space<hbm>>) target(%arg9 : memref<512xi32, #tpu.memory_space<vmem>>) target_semaphore(%run_scoped3A_198 : memref<!tpu.dma_semaphore, #tpu.memory_space<semaphore_mem>>)
      %dma_wait3A_201 = tpu.memref_slice %arg6[%mul3A_2] : memref<16384xi32, #tpu.memory_space<hbm>> -> memref<512xi32, #tpu.memory_space<hbm>>
      %dma_wait3A_202 = tpu.memref_slice %arg6[%mul3A_2] : memref<16384xi32, #tpu.memory_space<hbm>> -> memref<512xi32, #tpu.memory_space<hbm>>
      tpu.wait_dma2 semaphore(%run_scoped3A_198 : memref<!tpu.dma_semaphore, #tpu.memory_space<semaphore_mem>>) src(%dma_wait3A_202 : memref<512xi32, #tpu.memory_space<hbm>>) dst(%arg9 : memref<512xi32, #tpu.memory_space<vmem>>)
      tpu.yield
    }) : () -> ()
    "tpu.region"() ({
      %run_scoped3A_198 = tpu.sem_alloc : memref<!tpu.dma_semaphore, #tpu.memory_space<semaphore_mem>>
      %dma_start3A_199 = tpu.memref_slice %arg7[%mul3A_2] : memref<16384xi32, #tpu.memory_space<hbm>> -> memref<512xi32, #tpu.memory_space<hbm>>
      %dma_start3A_200 = tpu.memref_slice %arg7[%mul3A_2] : memref<16384xi32, #tpu.memory_space<hbm>> -> memref<512xi32, #tpu.memory_space<hbm>>
      tpu.enqueue_dma source(%dma_start3A_200 : memref<512xi32, #tpu.memory_space<hbm>>) target(%arg10 : memref<512xi32, #tpu.memory_space<vmem>>) target_semaphore(%run_scoped3A_198 : memref<!tpu.dma_semaphore, #tpu.memory_space<semaphore_mem>>)
      %dma_wait3A_201 = tpu.memref_slice %arg7[%mul3A_2] : memref<16384xi32, #tpu.memory_space<hbm>> -> memref<512xi32, #tpu.memory_space<hbm>>
      %dma_wait3A_202 = tpu.memref_slice %arg7[%mul3A_2] : memref<16384xi32, #tpu.memory_space<hbm>> -> memref<512xi32, #tpu.memory_space<hbm>>
      tpu.wait_dma2 semaphore(%run_scoped3A_198 : memref<!tpu.dma_semaphore, #tpu.memory_space<semaphore_mem>>) src(%dma_wait3A_202 : memref<512xi32, #tpu.memory_space<hbm>>) dst(%arg10 : memref<512xi32, #tpu.memory_space<vmem>>)
      tpu.yield
    }) : () -> ()
    %dma_start3A = arith.constant 0 : i32
    %dma_start3A_3 = tpu.memref_slice %arg11[%dma_start3A] : memref<512xf32, #tpu.memory_space<vmem>> -> memref<128xf32, #tpu.memory_space<vmem>>
    %dma_start3A_4 = arith.constant 0 : i32
    %dma_start3A_5 = tpu.memref_slice %arg9[%dma_start3A_4] : memref<512xi32, #tpu.memory_space<vmem>> -> memref<128xi32, #tpu.memory_space<vmem>>
    %dma_start3A_6 = arith.constant 0 : i32
    %dma_start3A_7 = tpu.memref_slice %arg2[%dma_start3A_6] : memref<1024000xf32, #tpu.memory_space<hbm>> -> memref<1024000xf32, #tpu.memory_space<hbm>>
    tpu.enqueue_indirect_dma source(%dma_start3A_7 : memref<1024000xf32, #tpu.memory_space<hbm>>) target(%dma_start3A_3 : memref<128xf32, #tpu.memory_space<vmem>>) offsets(%dma_start3A_5 : memref<128xi32, #tpu.memory_space<vmem>>) semaphore(%arg17 : memref<!tpu.dma_semaphore, #tpu.memory_space<semaphore_mem>>)
    %dma_start3A_8 = arith.constant 0 : i32
    %dma_start3A_9 = tpu.memref_slice %arg12[%dma_start3A_8] : memref<512xf32, #tpu.memory_space<vmem>> -> memref<128xf32, #tpu.memory_space<vmem>>
    %dma_start3A_10 = arith.constant 0 : i32
    %dma_start3A_11 = tpu.memref_slice %arg9[%dma_start3A_10] : memref<512xi32, #tpu.memory_space<vmem>> -> memref<128xi32, #tpu.memory_space<vmem>>
    %dma_start3A_12 = arith.constant 0 : i32
    %dma_start3A_13 = tpu.memref_slice %arg3[%dma_start3A_12] : memref<1024000xf32, #tpu.memory_space<hbm>> -> memref<1024000xf32, #tpu.memory_space<hbm>>
    tpu.enqueue_indirect_dma source(%dma_start3A_13 : memref<1024000xf32, #tpu.memory_space<hbm>>) target(%dma_start3A_9 : memref<128xf32, #tpu.memory_space<vmem>>) offsets(%dma_start3A_11 : memref<128xi32, #tpu.memory_space<vmem>>) semaphore(%arg17 : memref<!tpu.dma_semaphore, #tpu.memory_space<semaphore_mem>>)
    %dma_start3A_14 = arith.constant 0 : i32
    %dma_start3A_15 = tpu.memref_slice %arg13[%dma_start3A_14] : memref<512xf32, #tpu.memory_space<vmem>> -> memref<128xf32, #tpu.memory_space<vmem>>
    %dma_start3A_16 = arith.constant 0 : i32
    %dma_start3A_17 = tpu.memref_slice %arg10[%dma_start3A_16] : memref<512xi32, #tpu.memory_space<vmem>> -> memref<128xi32, #tpu.memory_space<vmem>>
    %dma_start3A_18 = arith.constant 0 : i32
    %dma_start3A_19 = tpu.memref_slice %arg4[%dma_start3A_18] : memref<1024000xf32, #tpu.memory_space<hbm>> -> memref<1024000xf32, #tpu.memory_space<hbm>>
    tpu.enqueue_indirect_dma source(%dma_start3A_19 : memref<1024000xf32, #tpu.memory_space<hbm>>) target(%dma_start3A_15 : memref<128xf32, #tpu.memory_space<vmem>>) offsets(%dma_start3A_17 : memref<128xi32, #tpu.memory_space<vmem>>) semaphore(%arg17 : memref<!tpu.dma_semaphore, #tpu.memory_space<semaphore_mem>>)
    %dma_start3A_20 = arith.constant 0 : i32
    %dma_start3A_21 = tpu.memref_slice %arg14[%dma_start3A_20] : memref<512xf32, #tpu.memory_space<vmem>> -> memref<128xf32, #tpu.memory_space<vmem>>
    %dma_start3A_22 = arith.constant 0 : i32
    %dma_start3A_23 = tpu.memref_slice %arg10[%dma_start3A_22] : memref<512xi32, #tpu.memory_space<vmem>> -> memref<128xi32, #tpu.memory_space<vmem>>
    %dma_start3A_24 = arith.constant 0 : i32
    %dma_start3A_25 = tpu.memref_slice %arg5[%dma_start3A_24] : memref<1024000xf32, #tpu.memory_space<hbm>> -> memref<1024000xf32, #tpu.memory_space<hbm>>
    tpu.enqueue_indirect_dma source(%dma_start3A_25 : memref<1024000xf32, #tpu.memory_space<hbm>>) target(%dma_start3A_21 : memref<128xf32, #tpu.memory_space<vmem>>) offsets(%dma_start3A_23 : memref<128xi32, #tpu.memory_space<vmem>>) semaphore(%arg17 : memref<!tpu.dma_semaphore, #tpu.memory_space<semaphore_mem>>)
    %dma_start3A_26 = arith.constant 128 : i32
    %dma_start3A_27 = tpu.memref_slice %arg11[%dma_start3A_26] : memref<512xf32, #tpu.memory_space<vmem>> -> memref<128xf32, #tpu.memory_space<vmem>>
    %dma_start3A_28 = arith.constant 128 : i32
    %dma_start3A_29 = tpu.memref_slice %arg9[%dma_start3A_28] : memref<512xi32, #tpu.memory_space<vmem>> -> memref<128xi32, #tpu.memory_space<vmem>>
    %dma_start3A_30 = arith.constant 0 : i32
    %dma_start3A_31 = tpu.memref_slice %arg2[%dma_start3A_30] : memref<1024000xf32, #tpu.memory_space<hbm>> -> memref<1024000xf32, #tpu.memory_space<hbm>>
    tpu.enqueue_indirect_dma source(%dma_start3A_31 : memref<1024000xf32, #tpu.memory_space<hbm>>) target(%dma_start3A_27 : memref<128xf32, #tpu.memory_space<vmem>>) offsets(%dma_start3A_29 : memref<128xi32, #tpu.memory_space<vmem>>) semaphore(%arg17 : memref<!tpu.dma_semaphore, #tpu.memory_space<semaphore_mem>>)
    %dma_start3A_32 = arith.constant 128 : i32
    %dma_start3A_33 = tpu.memref_slice %arg12[%dma_start3A_32] : memref<512xf32, #tpu.memory_space<vmem>> -> memref<128xf32, #tpu.memory_space<vmem>>
    %dma_start3A_34 = arith.constant 128 : i32
    %dma_start3A_35 = tpu.memref_slice %arg9[%dma_start3A_34] : memref<512xi32, #tpu.memory_space<vmem>> -> memref<128xi32, #tpu.memory_space<vmem>>
    %dma_start3A_36 = arith.constant 0 : i32
    %dma_start3A_37 = tpu.memref_slice %arg3[%dma_start3A_36] : memref<1024000xf32, #tpu.memory_space<hbm>> -> memref<1024000xf32, #tpu.memory_space<hbm>>
    tpu.enqueue_indirect_dma source(%dma_start3A_37 : memref<1024000xf32, #tpu.memory_space<hbm>>) target(%dma_start3A_33 : memref<128xf32, #tpu.memory_space<vmem>>) offsets(%dma_start3A_35 : memref<128xi32, #tpu.memory_space<vmem>>) semaphore(%arg17 : memref<!tpu.dma_semaphore, #tpu.memory_space<semaphore_mem>>)
    %dma_start3A_38 = arith.constant 128 : i32
    %dma_start3A_39 = tpu.memref_slice %arg13[%dma_start3A_38] : memref<512xf32, #tpu.memory_space<vmem>> -> memref<128xf32, #tpu.memory_space<vmem>>
    %dma_start3A_40 = arith.constant 128 : i32
    %dma_start3A_41 = tpu.memref_slice %arg10[%dma_start3A_40] : memref<512xi32, #tpu.memory_space<vmem>> -> memref<128xi32, #tpu.memory_space<vmem>>
    %dma_start3A_42 = arith.constant 0 : i32
    %dma_start3A_43 = tpu.memref_slice %arg4[%dma_start3A_42] : memref<1024000xf32, #tpu.memory_space<hbm>> -> memref<1024000xf32, #tpu.memory_space<hbm>>
    tpu.enqueue_indirect_dma source(%dma_start3A_43 : memref<1024000xf32, #tpu.memory_space<hbm>>) target(%dma_start3A_39 : memref<128xf32, #tpu.memory_space<vmem>>) offsets(%dma_start3A_41 : memref<128xi32, #tpu.memory_space<vmem>>) semaphore(%arg17 : memref<!tpu.dma_semaphore, #tpu.memory_space<semaphore_mem>>)
    %dma_start3A_44 = arith.constant 128 : i32
    %dma_start3A_45 = tpu.memref_slice %arg14[%dma_start3A_44] : memref<512xf32, #tpu.memory_space<vmem>> -> memref<128xf32, #tpu.memory_space<vmem>>
    %dma_start3A_46 = arith.constant 128 : i32
    %dma_start3A_47 = tpu.memref_slice %arg10[%dma_start3A_46] : memref<512xi32, #tpu.memory_space<vmem>> -> memref<128xi32, #tpu.memory_space<vmem>>
    %dma_start3A_48 = arith.constant 0 : i32
    %dma_start3A_49 = tpu.memref_slice %arg5[%dma_start3A_48] : memref<1024000xf32, #tpu.memory_space<hbm>> -> memref<1024000xf32, #tpu.memory_space<hbm>>
    tpu.enqueue_indirect_dma source(%dma_start3A_49 : memref<1024000xf32, #tpu.memory_space<hbm>>) target(%dma_start3A_45 : memref<128xf32, #tpu.memory_space<vmem>>) offsets(%dma_start3A_47 : memref<128xi32, #tpu.memory_space<vmem>>) semaphore(%arg17 : memref<!tpu.dma_semaphore, #tpu.memory_space<semaphore_mem>>)
    %dma_start3A_50 = arith.constant 256 : i32
    %dma_start3A_51 = tpu.memref_slice %arg11[%dma_start3A_50] : memref<512xf32, #tpu.memory_space<vmem>> -> memref<128xf32, #tpu.memory_space<vmem>>
    %dma_start3A_52 = arith.constant 256 : i32
    %dma_start3A_53 = tpu.memref_slice %arg9[%dma_start3A_52] : memref<512xi32, #tpu.memory_space<vmem>> -> memref<128xi32, #tpu.memory_space<vmem>>
    %dma_start3A_54 = arith.constant 0 : i32
    %dma_start3A_55 = tpu.memref_slice %arg2[%dma_start3A_54] : memref<1024000xf32, #tpu.memory_space<hbm>> -> memref<1024000xf32, #tpu.memory_space<hbm>>
    tpu.enqueue_indirect_dma source(%dma_start3A_55 : memref<1024000xf32, #tpu.memory_space<hbm>>) target(%dma_start3A_51 : memref<128xf32, #tpu.memory_space<vmem>>) offsets(%dma_start3A_53 : memref<128xi32, #tpu.memory_space<vmem>>) semaphore(%arg17 : memref<!tpu.dma_semaphore, #tpu.memory_space<semaphore_mem>>)
    %dma_start3A_56 = arith.constant 256 : i32
    %dma_start3A_57 = tpu.memref_slice %arg12[%dma_start3A_56] : memref<512xf32, #tpu.memory_space<vmem>> -> memref<128xf32, #tpu.memory_space<vmem>>
    %dma_start3A_58 = arith.constant 256 : i32
    %dma_start3A_59 = tpu.memref_slice %arg9[%dma_start3A_58] : memref<512xi32, #tpu.memory_space<vmem>> -> memref<128xi32, #tpu.memory_space<vmem>>
    %dma_start3A_60 = arith.constant 0 : i32
    %dma_start3A_61 = tpu.memref_slice %arg3[%dma_start3A_60] : memref<1024000xf32, #tpu.memory_space<hbm>> -> memref<1024000xf32, #tpu.memory_space<hbm>>
    tpu.enqueue_indirect_dma source(%dma_start3A_61 : memref<1024000xf32, #tpu.memory_space<hbm>>) target(%dma_start3A_57 : memref<128xf32, #tpu.memory_space<vmem>>) offsets(%dma_start3A_59 : memref<128xi32, #tpu.memory_space<vmem>>) semaphore(%arg17 : memref<!tpu.dma_semaphore, #tpu.memory_space<semaphore_mem>>)
    %dma_start3A_62 = arith.constant 256 : i32
    %dma_start3A_63 = tpu.memref_slice %arg13[%dma_start3A_62] : memref<512xf32, #tpu.memory_space<vmem>> -> memref<128xf32, #tpu.memory_space<vmem>>
    %dma_start3A_64 = arith.constant 256 : i32
    %dma_start3A_65 = tpu.memref_slice %arg10[%dma_start3A_64] : memref<512xi32, #tpu.memory_space<vmem>> -> memref<128xi32, #tpu.memory_space<vmem>>
    %dma_start3A_66 = arith.constant 0 : i32
    %dma_start3A_67 = tpu.memref_slice %arg4[%dma_start3A_66] : memref<1024000xf32, #tpu.memory_space<hbm>> -> memref<1024000xf32, #tpu.memory_space<hbm>>
    tpu.enqueue_indirect_dma source(%dma_start3A_67 : memref<1024000xf32, #tpu.memory_space<hbm>>) target(%dma_start3A_63 : memref<128xf32, #tpu.memory_space<vmem>>) offsets(%dma_start3A_65 : memref<128xi32, #tpu.memory_space<vmem>>) semaphore(%arg17 : memref<!tpu.dma_semaphore, #tpu.memory_space<semaphore_mem>>)
    %dma_start3A_68 = arith.constant 256 : i32
    %dma_start3A_69 = tpu.memref_slice %arg14[%dma_start3A_68] : memref<512xf32, #tpu.memory_space<vmem>> -> memref<128xf32, #tpu.memory_space<vmem>>
    %dma_start3A_70 = arith.constant 256 : i32
    %dma_start3A_71 = tpu.memref_slice %arg10[%dma_start3A_70] : memref<512xi32, #tpu.memory_space<vmem>> -> memref<128xi32, #tpu.memory_space<vmem>>
    %dma_start3A_72 = arith.constant 0 : i32
    %dma_start3A_73 = tpu.memref_slice %arg5[%dma_start3A_72] : memref<1024000xf32, #tpu.memory_space<hbm>> -> memref<1024000xf32, #tpu.memory_space<hbm>>
    tpu.enqueue_indirect_dma source(%dma_start3A_73 : memref<1024000xf32, #tpu.memory_space<hbm>>) target(%dma_start3A_69 : memref<128xf32, #tpu.memory_space<vmem>>) offsets(%dma_start3A_71 : memref<128xi32, #tpu.memory_space<vmem>>) semaphore(%arg17 : memref<!tpu.dma_semaphore, #tpu.memory_space<semaphore_mem>>)
    %dma_start3A_74 = arith.constant 384 : i32
    %dma_start3A_75 = tpu.memref_slice %arg11[%dma_start3A_74] : memref<512xf32, #tpu.memory_space<vmem>> -> memref<128xf32, #tpu.memory_space<vmem>>
    %dma_start3A_76 = arith.constant 384 : i32
    %dma_start3A_77 = tpu.memref_slice %arg9[%dma_start3A_76] : memref<512xi32, #tpu.memory_space<vmem>> -> memref<128xi32, #tpu.memory_space<vmem>>
    %dma_start3A_78 = arith.constant 0 : i32
    %dma_start3A_79 = tpu.memref_slice %arg2[%dma_start3A_78] : memref<1024000xf32, #tpu.memory_space<hbm>> -> memref<1024000xf32, #tpu.memory_space<hbm>>
    tpu.enqueue_indirect_dma source(%dma_start3A_79 : memref<1024000xf32, #tpu.memory_space<hbm>>) target(%dma_start3A_75 : memref<128xf32, #tpu.memory_space<vmem>>) offsets(%dma_start3A_77 : memref<128xi32, #tpu.memory_space<vmem>>) semaphore(%arg17 : memref<!tpu.dma_semaphore, #tpu.memory_space<semaphore_mem>>)
    %dma_start3A_80 = arith.constant 384 : i32
    %dma_start3A_81 = tpu.memref_slice %arg12[%dma_start3A_80] : memref<512xf32, #tpu.memory_space<vmem>> -> memref<128xf32, #tpu.memory_space<vmem>>
    %dma_start3A_82 = arith.constant 384 : i32
    %dma_start3A_83 = tpu.memref_slice %arg9[%dma_start3A_82] : memref<512xi32, #tpu.memory_space<vmem>> -> memref<128xi32, #tpu.memory_space<vmem>>
    %dma_start3A_84 = arith.constant 0 : i32
    %dma_start3A_85 = tpu.memref_slice %arg3[%dma_start3A_84] : memref<1024000xf32, #tpu.memory_space<hbm>> -> memref<1024000xf32, #tpu.memory_space<hbm>>
    tpu.enqueue_indirect_dma source(%dma_start3A_85 : memref<1024000xf32, #tpu.memory_space<hbm>>) target(%dma_start3A_81 : memref<128xf32, #tpu.memory_space<vmem>>) offsets(%dma_start3A_83 : memref<128xi32, #tpu.memory_space<vmem>>) semaphore(%arg17 : memref<!tpu.dma_semaphore, #tpu.memory_space<semaphore_mem>>)
    %dma_start3A_86 = arith.constant 384 : i32
    %dma_start3A_87 = tpu.memref_slice %arg13[%dma_start3A_86] : memref<512xf32, #tpu.memory_space<vmem>> -> memref<128xf32, #tpu.memory_space<vmem>>
    %dma_start3A_88 = arith.constant 384 : i32
    %dma_start3A_89 = tpu.memref_slice %arg10[%dma_start3A_88] : memref<512xi32, #tpu.memory_space<vmem>> -> memref<128xi32, #tpu.memory_space<vmem>>
    %dma_start3A_90 = arith.constant 0 : i32
    %dma_start3A_91 = tpu.memref_slice %arg4[%dma_start3A_90] : memref<1024000xf32, #tpu.memory_space<hbm>> -> memref<1024000xf32, #tpu.memory_space<hbm>>
    tpu.enqueue_indirect_dma source(%dma_start3A_91 : memref<1024000xf32, #tpu.memory_space<hbm>>) target(%dma_start3A_87 : memref<128xf32, #tpu.memory_space<vmem>>) offsets(%dma_start3A_89 : memref<128xi32, #tpu.memory_space<vmem>>) semaphore(%arg17 : memref<!tpu.dma_semaphore, #tpu.memory_space<semaphore_mem>>)
    %dma_start3A_92 = arith.constant 384 : i32
    %dma_start3A_93 = tpu.memref_slice %arg14[%dma_start3A_92] : memref<512xf32, #tpu.memory_space<vmem>> -> memref<128xf32, #tpu.memory_space<vmem>>
    %dma_start3A_94 = arith.constant 384 : i32
    %dma_start3A_95 = tpu.memref_slice %arg10[%dma_start3A_94] : memref<512xi32, #tpu.memory_space<vmem>> -> memref<128xi32, #tpu.memory_space<vmem>>
    %dma_start3A_96 = arith.constant 0 : i32
    %dma_start3A_97 = tpu.memref_slice %arg5[%dma_start3A_96] : memref<1024000xf32, #tpu.memory_space<hbm>> -> memref<1024000xf32, #tpu.memory_space<hbm>>
    tpu.enqueue_indirect_dma source(%dma_start3A_97 : memref<1024000xf32, #tpu.memory_space<hbm>>) target(%dma_start3A_93 : memref<128xf32, #tpu.memory_space<vmem>>) offsets(%dma_start3A_95 : memref<128xi32, #tpu.memory_space<vmem>>) semaphore(%arg17 : memref<!tpu.dma_semaphore, #tpu.memory_space<semaphore_mem>>)
    %dma_wait3A = arith.constant 0 : i32
    %dma_wait3A_98 = tpu.memref_slice %arg11[%dma_wait3A] : memref<512xf32, #tpu.memory_space<vmem>> -> memref<128xf32, #tpu.memory_space<vmem>>
    %dma_wait3A_99 = arith.constant 0 : i32
    %dma_wait3A_100 = tpu.memref_slice %arg9[%dma_wait3A_99] : memref<512xi32, #tpu.memory_space<vmem>> -> memref<128xi32, #tpu.memory_space<vmem>>
    %dma_wait3A_101 = arith.constant 0 : i32
    %dma_wait3A_102 = tpu.memref_slice %arg2[%dma_wait3A_101] : memref<1024000xf32, #tpu.memory_space<hbm>> -> memref<1024000xf32, #tpu.memory_space<hbm>>
    tpu.wait_indirect_dma semaphore(%arg17 : memref<!tpu.dma_semaphore, #tpu.memory_space<semaphore_mem>>) src(%dma_wait3A_102 : memref<1024000xf32, #tpu.memory_space<hbm>>) dst(%dma_wait3A_98 : memref<128xf32, #tpu.memory_space<vmem>>)
    %dma_wait3A_103 = arith.constant 0 : i32
    %dma_wait3A_104 = tpu.memref_slice %arg12[%dma_wait3A_103] : memref<512xf32, #tpu.memory_space<vmem>> -> memref<128xf32, #tpu.memory_space<vmem>>
    %dma_wait3A_105 = arith.constant 0 : i32
    %dma_wait3A_106 = tpu.memref_slice %arg9[%dma_wait3A_105] : memref<512xi32, #tpu.memory_space<vmem>> -> memref<128xi32, #tpu.memory_space<vmem>>
    %dma_wait3A_107 = arith.constant 0 : i32
    %dma_wait3A_108 = tpu.memref_slice %arg3[%dma_wait3A_107] : memref<1024000xf32, #tpu.memory_space<hbm>> -> memref<1024000xf32, #tpu.memory_space<hbm>>
    tpu.wait_indirect_dma semaphore(%arg17 : memref<!tpu.dma_semaphore, #tpu.memory_space<semaphore_mem>>) src(%dma_wait3A_108 : memref<1024000xf32, #tpu.memory_space<hbm>>) dst(%dma_wait3A_104 : memref<128xf32, #tpu.memory_space<vmem>>)
    %dma_wait3A_109 = arith.constant 0 : i32
    %dma_wait3A_110 = tpu.memref_slice %arg13[%dma_wait3A_109] : memref<512xf32, #tpu.memory_space<vmem>> -> memref<128xf32, #tpu.memory_space<vmem>>
    %dma_wait3A_111 = arith.constant 0 : i32
    %dma_wait3A_112 = tpu.memref_slice %arg10[%dma_wait3A_111] : memref<512xi32, #tpu.memory_space<vmem>> -> memref<128xi32, #tpu.memory_space<vmem>>
    %dma_wait3A_113 = arith.constant 0 : i32
    %dma_wait3A_114 = tpu.memref_slice %arg4[%dma_wait3A_113] : memref<1024000xf32, #tpu.memory_space<hbm>> -> memref<1024000xf32, #tpu.memory_space<hbm>>
    tpu.wait_indirect_dma semaphore(%arg17 : memref<!tpu.dma_semaphore, #tpu.memory_space<semaphore_mem>>) src(%dma_wait3A_114 : memref<1024000xf32, #tpu.memory_space<hbm>>) dst(%dma_wait3A_110 : memref<128xf32, #tpu.memory_space<vmem>>)
    %dma_wait3A_115 = arith.constant 0 : i32
    %dma_wait3A_116 = tpu.memref_slice %arg14[%dma_wait3A_115] : memref<512xf32, #tpu.memory_space<vmem>> -> memref<128xf32, #tpu.memory_space<vmem>>
    %dma_wait3A_117 = arith.constant 0 : i32
    %dma_wait3A_118 = tpu.memref_slice %arg10[%dma_wait3A_117] : memref<512xi32, #tpu.memory_space<vmem>> -> memref<128xi32, #tpu.memory_space<vmem>>
    %dma_wait3A_119 = arith.constant 0 : i32
    %dma_wait3A_120 = tpu.memref_slice %arg5[%dma_wait3A_119] : memref<1024000xf32, #tpu.memory_space<hbm>> -> memref<1024000xf32, #tpu.memory_space<hbm>>
    tpu.wait_indirect_dma semaphore(%arg17 : memref<!tpu.dma_semaphore, #tpu.memory_space<semaphore_mem>>) src(%dma_wait3A_120 : memref<1024000xf32, #tpu.memory_space<hbm>>) dst(%dma_wait3A_116 : memref<128xf32, #tpu.memory_space<vmem>>)
    %dma_wait3A_121 = arith.constant 128 : i32
    %dma_wait3A_122 = tpu.memref_slice %arg11[%dma_wait3A_121] : memref<512xf32, #tpu.memory_space<vmem>> -> memref<128xf32, #tpu.memory_space<vmem>>
    %dma_wait3A_123 = arith.constant 128 : i32
    %dma_wait3A_124 = tpu.memref_slice %arg9[%dma_wait3A_123] : memref<512xi32, #tpu.memory_space<vmem>> -> memref<128xi32, #tpu.memory_space<vmem>>
    %dma_wait3A_125 = arith.constant 0 : i32
    %dma_wait3A_126 = tpu.memref_slice %arg2[%dma_wait3A_125] : memref<1024000xf32, #tpu.memory_space<hbm>> -> memref<1024000xf32, #tpu.memory_space<hbm>>
    tpu.wait_indirect_dma semaphore(%arg17 : memref<!tpu.dma_semaphore, #tpu.memory_space<semaphore_mem>>) src(%dma_wait3A_126 : memref<1024000xf32, #tpu.memory_space<hbm>>) dst(%dma_wait3A_122 : memref<128xf32, #tpu.memory_space<vmem>>)
    %dma_wait3A_127 = arith.constant 128 : i32
    %dma_wait3A_128 = tpu.memref_slice %arg12[%dma_wait3A_127] : memref<512xf32, #tpu.memory_space<vmem>> -> memref<128xf32, #tpu.memory_space<vmem>>
    %dma_wait3A_129 = arith.constant 128 : i32
    %dma_wait3A_130 = tpu.memref_slice %arg9[%dma_wait3A_129] : memref<512xi32, #tpu.memory_space<vmem>> -> memref<128xi32, #tpu.memory_space<vmem>>
    %dma_wait3A_131 = arith.constant 0 : i32
    %dma_wait3A_132 = tpu.memref_slice %arg3[%dma_wait3A_131] : memref<1024000xf32, #tpu.memory_space<hbm>> -> memref<1024000xf32, #tpu.memory_space<hbm>>
    tpu.wait_indirect_dma semaphore(%arg17 : memref<!tpu.dma_semaphore, #tpu.memory_space<semaphore_mem>>) src(%dma_wait3A_132 : memref<1024000xf32, #tpu.memory_space<hbm>>) dst(%dma_wait3A_128 : memref<128xf32, #tpu.memory_space<vmem>>)
    %dma_wait3A_133 = arith.constant 128 : i32
    %dma_wait3A_134 = tpu.memref_slice %arg13[%dma_wait3A_133] : memref<512xf32, #tpu.memory_space<vmem>> -> memref<128xf32, #tpu.memory_space<vmem>>
    %dma_wait3A_135 = arith.constant 128 : i32
    %dma_wait3A_136 = tpu.memref_slice %arg10[%dma_wait3A_135] : memref<512xi32, #tpu.memory_space<vmem>> -> memref<128xi32, #tpu.memory_space<vmem>>
    %dma_wait3A_137 = arith.constant 0 : i32
    %dma_wait3A_138 = tpu.memref_slice %arg4[%dma_wait3A_137] : memref<1024000xf32, #tpu.memory_space<hbm>> -> memref<1024000xf32, #tpu.memory_space<hbm>>
    tpu.wait_indirect_dma semaphore(%arg17 : memref<!tpu.dma_semaphore, #tpu.memory_space<semaphore_mem>>) src(%dma_wait3A_138 : memref<1024000xf32, #tpu.memory_space<hbm>>) dst(%dma_wait3A_134 : memref<128xf32, #tpu.memory_space<vmem>>)
    %dma_wait3A_139 = arith.constant 128 : i32
    %dma_wait3A_140 = tpu.memref_slice %arg14[%dma_wait3A_139] : memref<512xf32, #tpu.memory_space<vmem>> -> memref<128xf32, #tpu.memory_space<vmem>>
    %dma_wait3A_141 = arith.constant 128 : i32
    %dma_wait3A_142 = tpu.memref_slice %arg10[%dma_wait3A_141] : memref<512xi32, #tpu.memory_space<vmem>> -> memref<128xi32, #tpu.memory_space<vmem>>
    %dma_wait3A_143 = arith.constant 0 : i32
    %dma_wait3A_144 = tpu.memref_slice %arg5[%dma_wait3A_143] : memref<1024000xf32, #tpu.memory_space<hbm>> -> memref<1024000xf32, #tpu.memory_space<hbm>>
    tpu.wait_indirect_dma semaphore(%arg17 : memref<!tpu.dma_semaphore, #tpu.memory_space<semaphore_mem>>) src(%dma_wait3A_144 : memref<1024000xf32, #tpu.memory_space<hbm>>) dst(%dma_wait3A_140 : memref<128xf32, #tpu.memory_space<vmem>>)
    %dma_wait3A_145 = arith.constant 256 : i32
    %dma_wait3A_146 = tpu.memref_slice %arg11[%dma_wait3A_145] : memref<512xf32, #tpu.memory_space<vmem>> -> memref<128xf32, #tpu.memory_space<vmem>>
    %dma_wait3A_147 = arith.constant 256 : i32
    %dma_wait3A_148 = tpu.memref_slice %arg9[%dma_wait3A_147] : memref<512xi32, #tpu.memory_space<vmem>> -> memref<128xi32, #tpu.memory_space<vmem>>
    %dma_wait3A_149 = arith.constant 0 : i32
    %dma_wait3A_150 = tpu.memref_slice %arg2[%dma_wait3A_149] : memref<1024000xf32, #tpu.memory_space<hbm>> -> memref<1024000xf32, #tpu.memory_space<hbm>>
    tpu.wait_indirect_dma semaphore(%arg17 : memref<!tpu.dma_semaphore, #tpu.memory_space<semaphore_mem>>) src(%dma_wait3A_150 : memref<1024000xf32, #tpu.memory_space<hbm>>) dst(%dma_wait3A_146 : memref<128xf32, #tpu.memory_space<vmem>>)
    %dma_wait3A_151 = arith.constant 256 : i32
    %dma_wait3A_152 = tpu.memref_slice %arg12[%dma_wait3A_151] : memref<512xf32, #tpu.memory_space<vmem>> -> memref<128xf32, #tpu.memory_space<vmem>>
    %dma_wait3A_153 = arith.constant 256 : i32
    %dma_wait3A_154 = tpu.memref_slice %arg9[%dma_wait3A_153] : memref<512xi32, #tpu.memory_space<vmem>> -> memref<128xi32, #tpu.memory_space<vmem>>
    %dma_wait3A_155 = arith.constant 0 : i32
    %dma_wait3A_156 = tpu.memref_slice %arg3[%dma_wait3A_155] : memref<1024000xf32, #tpu.memory_space<hbm>> -> memref<1024000xf32, #tpu.memory_space<hbm>>
    tpu.wait_indirect_dma semaphore(%arg17 : memref<!tpu.dma_semaphore, #tpu.memory_space<semaphore_mem>>) src(%dma_wait3A_156 : memref<1024000xf32, #tpu.memory_space<hbm>>) dst(%dma_wait3A_152 : memref<128xf32, #tpu.memory_space<vmem>>)
    %dma_wait3A_157 = arith.constant 256 : i32
    %dma_wait3A_158 = tpu.memref_slice %arg13[%dma_wait3A_157] : memref<512xf32, #tpu.memory_space<vmem>> -> memref<128xf32, #tpu.memory_space<vmem>>
    %dma_wait3A_159 = arith.constant 256 : i32
    %dma_wait3A_160 = tpu.memref_slice %arg10[%dma_wait3A_159] : memref<512xi32, #tpu.memory_space<vmem>> -> memref<128xi32, #tpu.memory_space<vmem>>
    %dma_wait3A_161 = arith.constant 0 : i32
    %dma_wait3A_162 = tpu.memref_slice %arg4[%dma_wait3A_161] : memref<1024000xf32, #tpu.memory_space<hbm>> -> memref<1024000xf32, #tpu.memory_space<hbm>>
    tpu.wait_indirect_dma semaphore(%arg17 : memref<!tpu.dma_semaphore, #tpu.memory_space<semaphore_mem>>) src(%dma_wait3A_162 : memref<1024000xf32, #tpu.memory_space<hbm>>) dst(%dma_wait3A_158 : memref<128xf32, #tpu.memory_space<vmem>>)
    %dma_wait3A_163 = arith.constant 256 : i32
    %dma_wait3A_164 = tpu.memref_slice %arg14[%dma_wait3A_163] : memref<512xf32, #tpu.memory_space<vmem>> -> memref<128xf32, #tpu.memory_space<vmem>>
    %dma_wait3A_165 = arith.constant 256 : i32
    %dma_wait3A_166 = tpu.memref_slice %arg10[%dma_wait3A_165] : memref<512xi32, #tpu.memory_space<vmem>> -> memref<128xi32, #tpu.memory_space<vmem>>
    %dma_wait3A_167 = arith.constant 0 : i32
    %dma_wait3A_168 = tpu.memref_slice %arg5[%dma_wait3A_167] : memref<1024000xf32, #tpu.memory_space<hbm>> -> memref<1024000xf32, #tpu.memory_space<hbm>>
    tpu.wait_indirect_dma semaphore(%arg17 : memref<!tpu.dma_semaphore, #tpu.memory_space<semaphore_mem>>) src(%dma_wait3A_168 : memref<1024000xf32, #tpu.memory_space<hbm>>) dst(%dma_wait3A_164 : memref<128xf32, #tpu.memory_space<vmem>>)
    %dma_wait3A_169 = arith.constant 384 : i32
    %dma_wait3A_170 = tpu.memref_slice %arg11[%dma_wait3A_169] : memref<512xf32, #tpu.memory_space<vmem>> -> memref<128xf32, #tpu.memory_space<vmem>>
    %dma_wait3A_171 = arith.constant 384 : i32
    %dma_wait3A_172 = tpu.memref_slice %arg9[%dma_wait3A_171] : memref<512xi32, #tpu.memory_space<vmem>> -> memref<128xi32, #tpu.memory_space<vmem>>
    %dma_wait3A_173 = arith.constant 0 : i32
    %dma_wait3A_174 = tpu.memref_slice %arg2[%dma_wait3A_173] : memref<1024000xf32, #tpu.memory_space<hbm>> -> memref<1024000xf32, #tpu.memory_space<hbm>>
    tpu.wait_indirect_dma semaphore(%arg17 : memref<!tpu.dma_semaphore, #tpu.memory_space<semaphore_mem>>) src(%dma_wait3A_174 : memref<1024000xf32, #tpu.memory_space<hbm>>) dst(%dma_wait3A_170 : memref<128xf32, #tpu.memory_space<vmem>>)
    %dma_wait3A_175 = arith.constant 384 : i32
    %dma_wait3A_176 = tpu.memref_slice %arg12[%dma_wait3A_175] : memref<512xf32, #tpu.memory_space<vmem>> -> memref<128xf32, #tpu.memory_space<vmem>>
    %dma_wait3A_177 = arith.constant 384 : i32
    %dma_wait3A_178 = tpu.memref_slice %arg9[%dma_wait3A_177] : memref<512xi32, #tpu.memory_space<vmem>> -> memref<128xi32, #tpu.memory_space<vmem>>
    %dma_wait3A_179 = arith.constant 0 : i32
    %dma_wait3A_180 = tpu.memref_slice %arg3[%dma_wait3A_179] : memref<1024000xf32, #tpu.memory_space<hbm>> -> memref<1024000xf32, #tpu.memory_space<hbm>>
    tpu.wait_indirect_dma semaphore(%arg17 : memref<!tpu.dma_semaphore, #tpu.memory_space<semaphore_mem>>) src(%dma_wait3A_180 : memref<1024000xf32, #tpu.memory_space<hbm>>) dst(%dma_wait3A_176 : memref<128xf32, #tpu.memory_space<vmem>>)
    %dma_wait3A_181 = arith.constant 384 : i32
    %dma_wait3A_182 = tpu.memref_slice %arg13[%dma_wait3A_181] : memref<512xf32, #tpu.memory_space<vmem>> -> memref<128xf32, #tpu.memory_space<vmem>>
    %dma_wait3A_183 = arith.constant 384 : i32
    %dma_wait3A_184 = tpu.memref_slice %arg10[%dma_wait3A_183] : memref<512xi32, #tpu.memory_space<vmem>> -> memref<128xi32, #tpu.memory_space<vmem>>
    %dma_wait3A_185 = arith.constant 0 : i32
    %dma_wait3A_186 = tpu.memref_slice %arg4[%dma_wait3A_185] : memref<1024000xf32, #tpu.memory_space<hbm>> -> memref<1024000xf32, #tpu.memory_space<hbm>>
    tpu.wait_indirect_dma semaphore(%arg17 : memref<!tpu.dma_semaphore, #tpu.memory_space<semaphore_mem>>) src(%dma_wait3A_186 : memref<1024000xf32, #tpu.memory_space<hbm>>) dst(%dma_wait3A_182 : memref<128xf32, #tpu.memory_space<vmem>>)
    %dma_wait3A_187 = arith.constant 384 : i32
    %dma_wait3A_188 = tpu.memref_slice %arg14[%dma_wait3A_187] : memref<512xf32, #tpu.memory_space<vmem>> -> memref<128xf32, #tpu.memory_space<vmem>>
    %dma_wait3A_189 = arith.constant 384 : i32
    %dma_wait3A_190 = tpu.memref_slice %arg10[%dma_wait3A_189] : memref<512xi32, #tpu.memory_space<vmem>> -> memref<128xi32, #tpu.memory_space<vmem>>
    %dma_wait3A_191 = arith.constant 0 : i32
    %dma_wait3A_192 = tpu.memref_slice %arg5[%dma_wait3A_191] : memref<1024000xf32, #tpu.memory_space<hbm>> -> memref<1024000xf32, #tpu.memory_space<hbm>>
    tpu.wait_indirect_dma semaphore(%arg17 : memref<!tpu.dma_semaphore, #tpu.memory_space<semaphore_mem>>) src(%dma_wait3A_192 : memref<1024000xf32, #tpu.memory_space<hbm>>) dst(%dma_wait3A_188 : memref<128xf32, #tpu.memory_space<vmem>>)
    %scan3A = arith.constant 0 : i32
    %scan3A_193 = arith.constant 32 : i32
    %scan3A_194 = arith.addi %scan3A, %scan3A_193 : i32
    %scan3A_195 = arith.constant 1 : i32
    scf.for %scan3A_198 = %scan3A to %scan3A_194 step %scan3A_195  : i32 {
      %mul3A_199 = arith.constant 16 : i32
      %mul3A_200 = arith.muli %scan3A_198, %mul3A_199 : i32
      %add3A_201 = arith.constant 0 : i32
      %add3A_202 = arith.addi %add3A_201, %mul3A_200 : i32
      %get3A = arith.index_cast %add3A_202 : i32 to index
      %get3A_203 = tpu.vector_load %arg11[%get3A] {strides = array<i32>} : memref<512xf32, #tpu.memory_space<vmem>>, vector<16xf32>,
      %get3A_204 = vector.shape_cast %get3A_203 : vector<16xf32> to vector<16xf32>
      %get3A_205 = arith.index_cast %add3A_202 : i32 to index
      %get3A_206 = tpu.vector_load %arg13[%get3A_205] {strides = array<i32>} : memref<512xf32, #tpu.memory_space<vmem>>, vector<16xf32>,
      %get3A_207 = vector.shape_cast %get3A_206 : vector<16xf32> to vector<16xf32>
      %add3A_208 = arith.addf %get3A_204, %get3A_207 : vector<16xf32>
      %swap3A = arith.index_cast %add3A_202 : i32 to index
      %swap3A_209 = tpu.vector_load %arg15[%swap3A] {strides = array<i32>} : memref<512xf32, #tpu.memory_space<vmem>>, vector<16xf32>,
      %swap3A_210 = vector.shape_cast %swap3A_209 : vector<16xf32> to vector<16xf32>
      %swap3A_211 = vector.shape_cast %add3A_208 : vector<16xf32> to vector<16xf32>
      tpu.vector_store %arg15[%swap3A], %swap3A_211 {strides = array<i32>} : memref<512xf32, #tpu.memory_space<vmem>>, vector<16xf32>,
      %get3A_212 = arith.index_cast %add3A_202 : i32 to index
      %get3A_213 = tpu.vector_load %arg12[%get3A_212] {strides = array<i32>} : memref<512xf32, #tpu.memory_space<vmem>>, vector<16xf32>,
      %get3A_214 = vector.shape_cast %get3A_213 : vector<16xf32> to vector<16xf32>
      %get3A_215 = arith.index_cast %add3A_202 : i32 to index
      %get3A_216 = tpu.vector_load %arg14[%get3A_215] {strides = array<i32>} : memref<512xf32, #tpu.memory_space<vmem>>, vector<16xf32>,
      %get3A_217 = vector.shape_cast %get3A_216 : vector<16xf32> to vector<16xf32>
      %add3A_218 = arith.addf %get3A_214, %get3A_217 : vector<16xf32>
      %swap3A_219 = arith.index_cast %add3A_202 : i32 to index
      %swap3A_220 = tpu.vector_load %arg16[%swap3A_219] {strides = array<i32>} : memref<512xf32, #tpu.memory_space<vmem>>, vector<16xf32>,
      %swap3A_221 = vector.shape_cast %swap3A_220 : vector<16xf32> to vector<16xf32>
      %swap3A_222 = vector.shape_cast %add3A_218 : vector<16xf32> to vector<16xf32>
      tpu.vector_store %arg16[%swap3A_219], %swap3A_222 {strides = array<i32>} : memref<512xf32, #tpu.memory_space<vmem>>, vector<16xf32>,
    }
    %scan3A_196 = arith.constant 32 : i32
    %run_scoped3A = arith.constant 0 : i32
    "tpu.region"() ({
      %run_scoped3A_198 = tpu.sem_alloc : memref<!tpu.dma_semaphore, #tpu.memory_space<semaphore_mem>>
      %dma_start3A_199 = tpu.memref_slice %arg8[%run_scoped3A, %mul3A_2] : memref<2x16384xf32, #tpu.memory_space<hbm>> -> memref<1x512xf32, #tpu.memory_space<hbm>>
      %dma_start3A_200 = tpu.memref_squeeze %dma_start3A_199 : memref<1x512xf32, #tpu.memory_space<hbm>> -> memref<512xf32, #tpu.memory_space<hbm>>
      %dma_start3A_201 = tpu.memref_slice %arg8[%run_scoped3A, %mul3A_2] : memref<2x16384xf32, #tpu.memory_space<hbm>> -> memref<1x512xf32, #tpu.memory_space<hbm>>
      %dma_start3A_202 = tpu.memref_squeeze %dma_start3A_201 : memref<1x512xf32, #tpu.memory_space<hbm>> -> memref<512xf32, #tpu.memory_space<hbm>>
      tpu.enqueue_dma source(%arg15 : memref<512xf32, #tpu.memory_space<vmem>>) target(%dma_start3A_202 : memref<512xf32, #tpu.memory_space<hbm>>) target_semaphore(%run_scoped3A_198 : memref<!tpu.dma_semaphore, #tpu.memory_space<semaphore_mem>>)
      %dma_wait3A_203 = tpu.memref_slice %arg8[%run_scoped3A, %mul3A_2] : memref<2x16384xf32, #tpu.memory_space<hbm>> -> memref<1x512xf32, #tpu.memory_space<hbm>>
      %dma_wait3A_204 = tpu.memref_squeeze %dma_wait3A_203 : memref<1x512xf32, #tpu.memory_space<hbm>> -> memref<512xf32, #tpu.memory_space<hbm>>
      %dma_wait3A_205 = tpu.memref_slice %arg8[%run_scoped3A, %mul3A_2] : memref<2x16384xf32, #tpu.memory_space<hbm>> -> memref<1x512xf32, #tpu.memory_space<hbm>>
      %dma_wait3A_206 = tpu.memref_squeeze %dma_wait3A_205 : memref<1x512xf32, #tpu.memory_space<hbm>> -> memref<512xf32, #tpu.memory_space<hbm>>
      tpu.wait_dma2 semaphore(%run_scoped3A_198 : memref<!tpu.dma_semaphore, #tpu.memory_space<semaphore_mem>>) src(%arg15 : memref<512xf32, #tpu.memory_space<vmem>>) dst(%dma_wait3A_206 : memref<512xf32, #tpu.memory_space<hbm>>)
      tpu.yield
    }) : () -> ()
    %run_scoped3A_197 = arith.constant 1 : i32
    "tpu.region"() ({
      %run_scoped3A_198 = tpu.sem_alloc : memref<!tpu.dma_semaphore, #tpu.memory_space<semaphore_mem>>
      %dma_start3A_199 = tpu.memref_slice %arg8[%run_scoped3A_197, %mul3A_2] : memref<2x16384xf32, #tpu.memory_space<hbm>> -> memref<1x512xf32, #tpu.memory_space<hbm>>
      %dma_start3A_200 = tpu.memref_squeeze %dma_start3A_199 : memref<1x512xf32, #tpu.memory_space<hbm>> -> memref<512xf32, #tpu.memory_space<hbm>>
      %dma_start3A_201 = tpu.memref_slice %arg8[%run_scoped3A_197, %mul3A_2] : memref<2x16384xf32, #tpu.memory_space<hbm>> -> memref<1x512xf32, #tpu.memory_space<hbm>>
      %dma_start3A_202 = tpu.memref_squeeze %dma_start3A_201 : memref<1x512xf32, #tpu.memory_space<hbm>> -> memref<512xf32, #tpu.memory_space<hbm>>
      tpu.enqueue_dma source(%arg16 : memref<512xf32, #tpu.memory_space<vmem>>) target(%dma_start3A_202 : memref<512xf32, #tpu.memory_space<hbm>>) target_semaphore(%run_scoped3A_198 : memref<!tpu.dma_semaphore, #tpu.memory_space<semaphore_mem>>)
      %dma_wait3A_203 = tpu.memref_slice %arg8[%run_scoped3A_197, %mul3A_2] : memref<2x16384xf32, #tpu.memory_space<hbm>> -> memref<1x512xf32, #tpu.memory_space<hbm>>
      %dma_wait3A_204 = tpu.memref_squeeze %dma_wait3A_203 : memref<1x512xf32, #tpu.memory_space<hbm>> -> memref<512xf32, #tpu.memory_space<hbm>>
      %dma_wait3A_205 = tpu.memref_slice %arg8[%run_scoped3A_197, %mul3A_2] : memref<2x16384xf32, #tpu.memory_space<hbm>> -> memref<1x512xf32, #tpu.memory_space<hbm>>
      %dma_wait3A_206 = tpu.memref_squeeze %dma_wait3A_205 : memref<1x512xf32, #tpu.memory_space<hbm>> -> memref<512xf32, #tpu.memory_space<hbm>>
      tpu.wait_dma2 semaphore(%run_scoped3A_198 : memref<!tpu.dma_semaphore, #tpu.memory_space<semaphore_mem>>) src(%arg16 : memref<512xf32, #tpu.memory_space<vmem>>) dst(%dma_wait3A_206 : memref<512xf32, #tpu.memory_space<hbm>>)
      tpu.yield
    }) : () -> ()
    return
  }
}

module attributes {stable_mosaic.version = 14 : i64} {
  func.func @_stage_a_body(%arg0: i32, %arg1: memref<64x40960xf32, #tpu.memory_space<vmem>>, %arg2: memref<8x64xf32, #tpu.memory_space<vmem>>, %arg3: memref<8x1xf32, #tpu.memory_space<vmem>>, %arg4: memref<40960xf32, #tpu.memory_space<vmem>>, %arg5: memref<40960xf32, #tpu.memory_space<vmem>>, %arg6: memref<40960xf32, #tpu.memory_space<vmem>>, %arg7: memref<40960xf32, #tpu.memory_space<vmem>>) attributes {dimension_semantics = [#tpu.dimension_semantics<parallel>], iteration_bounds = array<i64: 25>, scalar_prefetch = 0 : i64, scratch_operands = 0 : i64, tpu.core_type = #tpu.core_type<tc>, window_params = [{transform_indices = @transform_0, window_bounds = array<i64: 64, 40960>}, {pipeline_mode = #tpu.pipeline_mode<synchronous>, transform_indices = @transform_1, window_bounds = array<i64: 8, 64>}, {pipeline_mode = #tpu.pipeline_mode<synchronous>, transform_indices = @transform_2, window_bounds = array<i64: 8, 1>}, {transform_indices = @transform_3, window_bounds = array<i64: 40960>}, {transform_indices = @transform_4, window_bounds = array<i64: 40960>}, {transform_indices = @transform_5, window_bounds = array<i64: 40960>}, {transform_indices = @transform_6, window_bounds = array<i64: 40960>}]} {
    %get3A = arith.constant 0 : index
    %get3A_0 = arith.constant 0 : index
    %get3A_1 = vector.load %arg1[%get3A, %get3A_0] : memref<64x40960xf32, #tpu.memory_space<vmem>>, vector<64x40960xf32>
    %mul3A = arith.mulf %get3A_1, %get3A_1 : vector<64x40960xf32>
    %reduce_sum3A = arith.constant dense<0.000000e+00> : vector<40960xf32>
    %reduce_sum3A_2 = vector.multi_reduction <add>, %mul3A, %reduce_sum3A [0] : vector<64x40960xf32> to vector<40960xf32>
    %broadcast_in_dim3A = vector.shape_cast %reduce_sum3A_2 : vector<40960xf32> to vector<1x40960xf32>
    %max3A = arith.constant 1.000000e+00 : f32
    %max3A_3 = vector.broadcast %max3A : f32 to vector<1x40960xf32>
    %max3A_4 = arith.maximumf %broadcast_in_dim3A, %max3A_3 : vector<1x40960xf32>
    %rsqrt3A = math.rsqrt %max3A_4 : vector<1x40960xf32>
    %get3A_5 = arith.constant 0 : index
    %get3A_6 = arith.constant 0 : index
    %get3A_7 = vector.load %arg2[%get3A_5, %get3A_6] : memref<8x64xf32, #tpu.memory_space<vmem>>, vector<8x64xf32>
    %dot_general3A = arith.constant dense<0.000000e+00> : vector<8x40960xf32>
    %dot_general3A_8 = tpu.matmul %get3A_7, %get3A_1, %dot_general3A {dimension_numbers = #tpu.dot_dimension_numbers<[1], [0], [0], [1], [0, 0, 1, 1], [], []>, transpose_lhs_hint = false} : vector<8x64xf32>, vector<64x40960xf32>, vector<8x40960xf32> -> vector<8x40960xf32>
    %mul3A_9 = vector.broadcast %rsqrt3A : vector<1x40960xf32> to vector<8x40960xf32>
    %mul3A_10 = arith.mulf %dot_general3A_8, %mul3A_9 : vector<8x40960xf32>
    %get3A_11 = arith.constant 0 : index
    %get3A_12 = arith.constant 0 : index
    %get3A_13 = vector.load %arg3[%get3A_11, %get3A_12] : memref<8x1xf32, #tpu.memory_space<vmem>>, vector<8x1xf32>
    %add3A = vector.broadcast %get3A_13 : vector<8x1xf32> to vector<8x40960xf32>
    %add3A_14 = arith.addf %mul3A_10, %add3A : vector<8x40960xf32>
    %slice3A = vector.extract_strided_slice %add3A_14 {offsets = [0, 0], sizes = [1, 40960], strides = [1, 1]} : vector<8x40960xf32> to vector<1x40960xf32>
    %squeeze3A = vector.shape_cast %slice3A : vector<1x40960xf32> to vector<40960xf32>
    %swap3A = arith.constant 0 : index
    %swap3A_15 = vector.load %arg4[%swap3A] : memref<40960xf32, #tpu.memory_space<vmem>>, vector<40960xf32>
    tpu.vector_store %arg4[%swap3A], %squeeze3A {strides = array<i32>} : memref<40960xf32, #tpu.memory_space<vmem>>, vector<40960xf32>,
    %slice3A_16 = vector.extract_strided_slice %add3A_14 {offsets = [1, 0], sizes = [1, 40960], strides = [1, 1]} : vector<8x40960xf32> to vector<1x40960xf32>
    %squeeze3A_17 = vector.shape_cast %slice3A_16 : vector<1x40960xf32> to vector<40960xf32>
    %swap3A_18 = arith.constant 0 : index
    %swap3A_19 = vector.load %arg5[%swap3A_18] : memref<40960xf32, #tpu.memory_space<vmem>>, vector<40960xf32>
    tpu.vector_store %arg5[%swap3A_18], %squeeze3A_17 {strides = array<i32>} : memref<40960xf32, #tpu.memory_space<vmem>>, vector<40960xf32>,
    %slice3A_20 = vector.extract_strided_slice %add3A_14 {offsets = [2, 0], sizes = [1, 40960], strides = [1, 1]} : vector<8x40960xf32> to vector<1x40960xf32>
    %squeeze3A_21 = vector.shape_cast %slice3A_20 : vector<1x40960xf32> to vector<40960xf32>
    %swap3A_22 = arith.constant 0 : index
    %swap3A_23 = vector.load %arg6[%swap3A_22] : memref<40960xf32, #tpu.memory_space<vmem>>, vector<40960xf32>
    tpu.vector_store %arg6[%swap3A_22], %squeeze3A_21 {strides = array<i32>} : memref<40960xf32, #tpu.memory_space<vmem>>, vector<40960xf32>,
    %slice3A_24 = vector.extract_strided_slice %add3A_14 {offsets = [3, 0], sizes = [1, 40960], strides = [1, 1]} : vector<8x40960xf32> to vector<1x40960xf32>
    %squeeze3A_25 = vector.shape_cast %slice3A_24 : vector<1x40960xf32> to vector<40960xf32>
    %swap3A_26 = arith.constant 0 : index
    %swap3A_27 = vector.load %arg7[%swap3A_26] : memref<40960xf32, #tpu.memory_space<vmem>>, vector<40960xf32>
    tpu.vector_store %arg7[%swap3A_26], %squeeze3A_25 {strides = array<i32>} : memref<40960xf32, #tpu.memory_space<vmem>>, vector<40960xf32>,
    return
  }
  func.func @transform_0(%arg0: i32) -> (i32, i32) {
    %c0_i32 = arith.constant 0 : i32
    %c0_i32_0 = arith.constant 0 : i32
    return %c0_i32, %arg0 : i32, i32
  }
  func.func @transform_1(%arg0: i32) -> (i32, i32) {
    %c0_i32 = arith.constant 0 : i32
    %c0_i32_0 = arith.constant 0 : i32
    %c0_i32_1 = arith.constant 0 : i32
    return %c0_i32, %c0_i32_0 : i32, i32
  }
  func.func @transform_2(%arg0: i32) -> (i32, i32) {
    %c0_i32 = arith.constant 0 : i32
    %c0_i32_0 = arith.constant 0 : i32
    %c0_i32_1 = arith.constant 0 : i32
    return %c0_i32, %c0_i32_0 : i32, i32
  }
  func.func @transform_3(%arg0: i32) -> i32 {
    %c0_i32 = arith.constant 0 : i32
    return %arg0 : i32
  }
  func.func @transform_4(%arg0: i32) -> i32 {
    %c0_i32 = arith.constant 0 : i32
    return %arg0 : i32
  }
  func.func @transform_5(%arg0: i32) -> i32 {
    %c0_i32 = arith.constant 0 : i32
    return %arg0 : i32
  }
  func.func @transform_6(%arg0: i32) -> i32 {
    %c0_i32 = arith.constant 0 : i32
    return %arg0 : i32
  }
}

</mosaic_0001>

<sc_bundles>
// kernel: kernel.4.cloned.1.call-start
scs
__scs_entry_jumppad:
0x0: {  	(pc) =	sbr.rel $0x88, $3  }
0x1: {  	(tag) =	ssettag $0x0;
	lr =	simm.s32 $0x1  }
0x2: {  	[smem:$0x3F9C] =	sst lr;
	_ =	strace $0xD0000000  }
0x3: {  	_ = 	snop  }
0x4: {  	_ = 	snop  }
0x5: {  	_ = 	snop  }
0x6: {  	_ = 	snop  }
0x7: {  	_ = 	snop  }
__scs_overlays_trampoline_lowered:
0x8: {  	[smem:$0x3FAB] =	sst s0  }
0x9: {  	[smem:$0x3FAC] =	sst s1  }
0xa: {  	[smem:$0x3FAD] =	sst s2  }
0xb: {  	[smem:$0x3FAE] =	sst s3  }
0xc: {  	[smem:$0x3FAF] =	sst s4  }
0xd: {  	[smem:$0x3FB0] =	sst s5  }
0xe: {  	[smem:$0x3FB1] =	sst s6  }
0xf: {  	[smem:$0x3FB2] =	sst s7  }
0x10: {  	[smem:$0x3FB3] =	sst s8  }
0x11: {  	[smem:$0x3FB4] =	sst s9;
	s0 =	simm.s32 @!p0 $0x0  }
0x12: {  	s1 =	sld [smem:$0x3F9A];
	s0 =	simm.s32 @p0 $0x1  }
0x13: {  	[smem:$0x3FB5] =	sst s0;
	s0 =	simm.s32 @!p1 $0x0  }
0x14: {  	s2 =	sld [smem:$0x3F99];
	s0 =	simm.s32 @p1 $0x1  }
0x15: {  	[smem:$0x3FB6] =	sst s0;
	s0 =	simm.s32 @!p2 $0x0  }
0x16: {  	s3 =	sld [smem:$0x3FDB];
	s0 =	simm.s32 @p2 $0x1  }
0x17: {  	s4 =	simm.s32 $0x1BF5;
	[smem:$0x3FB8] =	sst s0  }
0x18: {  	s0 =	sld [smem:$0x3F9B];
	_ =	swait.ge [sflag:s4], $0x0  }
0x19: {  	s7 =	sld [smem:$0x3F9C]  }
0x1a: {  	s8 =	sadd.s32 $0xFFFFE003, lr  }
0x1b: {  	s9 =	sadd.s32 $0xFFFFFEF7, lr;
	s5 =	simm.s32 $0xFFFFFFFF;
	p2 =	slt.u32 s8, $0xFFFFF086  }
0x1c: {  	p1 =	slt.u32 s9, $0xF7A;
	s5 =	simm.s32 @!p2 $0x0  }
0x1d: {  	s5 =	simm.s32 @p1 $0x1;
	p0 =	seq.s32 s7, s2  }
0x1e: {  	s7 =	smul.u32 @!p0 $0xF7A, s2;
	p2 =	seq.s32 @!p0 s5, $0x0  }
0x1f: {  	s9 =	smul.u32 $0xF7A, s1;
	s8 =	simm.s32 @!p0 $0x1BF5;
	p2 =	por !p2, p0  }
0x20: {  	[sflag:s8] =	ssyncset.s32 @!p0 $0xFFFFF086;
	s6 =	sadd.s32 @!p0 s3, s7;
	s7 =	simm.s32 @!p0 $0x108  }
0x21: {  	s3 =	sadd.s32 s3, s9;
	s6 =	sadd.s32 @!p0 $0x88, s6;
	s7 =	simm.s32 @p2 $0x1082  }
0x22: {  	[simem:s7], [sflag:s8] =	dma.local @!p0 [hbm:s6], $0xF7A  }
0x23: {  	s9 =	sor.u32 $0xD0000000, s2;
	s6 =	simm.s32 $0x108;
	_ =	swait.ge @!p0 [sflag:s8], $0x0  }
0x24: {  	s3 =	sadd.s32 $0x88, s3;
	s6 =	simm.s32 @!p1 $0x1082;
	[sflag:s4] =	ssyncset.s32 $0xFFFFF086  }
0x25: {  	[simem:s6], [sflag:s4] =	dma.local [hbm:s3], $0xF7A  }
0x26: {  	[smem:$0x3F9C] =	sst s1;
	(tag) =	ssettag s2;
	_ =	strace s9  }
0x27: {  	s1 =	sld [smem:$0x3FAC]  }
0x28: {  	s2 =	sld [smem:$0x3FAD]  }
0x29: {  	s4 =	sld [smem:$0x3FAF]  }
0x2a: {  	p0 =	seq.s32 s5, $0x0;
	s5 =	sld [smem:$0x3FB0]  }
0x2b: {  	s6 =	sld [smem:$0x3FB1]  }
0x2c: {  	s7 =	sld [smem:$0x3FB2]  }
0x2d: {  	s3 =	simm.s32 $0x108;
	s8 =	sld [smem:$0x3FB3]  }
0x2e: {  	s3 =	simm.s32 @!p0 $0x1082;
	s9 =	sld [smem:$0x3FB4]  }
0x2f: {  	lr =	sadd.s32 s0, s3;
	s0 =	sld [smem:$0x3FAB]  }
0x30: {  	s3 =	sld [smem:$0x3FAE]  }
0x31: {  	[smem:$0x3FB7] =	sst s10  }
0x32: {  	s10 =	sld [smem:$0x3FB5];
	_ =	sdelay $0x3  }
0x33: {  	p0 =	seq.s32 s10, $0x1;
	s10 =	sld [smem:$0x3FB7];
	_ =	sdelay $0x3  }
0x34: {  	[smem:$0x3FB7] =	sst s10  }
0x35: {  	s10 =	sld [smem:$0x3FB6];
	_ =	sdelay $0x3  }
0x36: {  	p1 =	seq.s32 s10, $0x1;
	s10 =	sld [smem:$0x3FB7];
	_ =	sdelay $0x3  }
0x37: {  	[smem:$0x3FB7] =	sst s10  }
0x38: {  	s10 =	sld [smem:$0x3FB8]  }
0x39: {  	_ = 	snop;
	(pc) =	sbr.ind lr, $3  }
0x3a: {  	_ = 	snop  }
0x3b: {  	_ = 	snop  }
0x3c: {  	p2 =	seq.s32 s10, $0x1;
	s10 =	sld [smem:$0x3FB7]  }
0x3d: {  	_ =	shalt  }
0x3e: {  	_ =	shalt  }
0x3f: {  	_ =	shalt  }
0x40: {  	_ =	shalt  }
0x41: {  	_ =	shalt  }
0x42: {  	_ =	shalt  }
0x43: {  	_ =	shalt  }
0x44: {  	_ =	shalt  }
0x45: {  	_ =	shalt  }
0x46: {  	_ =	shalt  }
0x47: {  	_ =	shalt  }
0x48: {  	_ =	shalt  }
0x49: {  	_ =	shalt  }
0x4a: {  	_ =	shalt  }
0x4b: {  	_ =	shalt  }
0x4c: {  	_ =	shalt  }
0x4d: {  	_ =	shalt  }
0x4e: {  	_ =	shalt  }
0x4f: {  	_ =	shalt  }
0x50: {  	_ =	shalt  }
0x51: {  	_ =	shalt  }
0x52: {  	_ =	shalt  }
0x53: {  	_ =	shalt  }
0x54: {  	_ =	shalt  }
0x55: {  	_ =	shalt  }
0x56: {  	_ =	shalt  }
0x57: {  	_ =	shalt  }
0x58: {  	_ =	shalt  }
0x59: {  	_ =	shalt  }
0x5a: {  	_ =	shalt  }
0x5b: {  	_ =	shalt  }
0x5c: {  	_ =	shalt  }
0x5d: {  	_ =	shalt  }
0x5e: {  	_ =	shalt  }
0x5f: {  	_ =	shalt  }
0x60: {  	_ =	shalt  }
0x61: {  	_ =	shalt  }
0x62: {  	_ =	shalt  }
0x63: {  	_ =	shalt  }
0x64: {  	_ =	shalt  }
0x65: {  	_ =	shalt  }
0x66: {  	_ =	shalt  }
0x67: {  	_ =	shalt  }
0x68: {  	_ =	shalt  }
0x69: {  	_ =	shalt  }
0x6a: {  	_ =	shalt  }
0x6b: {  	_ =	shalt  }
0x6c: {  	_ =	shalt  }
0x6d: {  	_ =	shalt  }
0x6e: {  	_ =	shalt  }
0x6f: {  	_ =	shalt  }
0x70: {  	_ =	shalt  }
0x71: {  	_ =	shalt  }
0x72: {  	_ =	shalt  }
0x73: {  	_ =	shalt  }
0x74: {  	_ =	shalt  }
0x75: {  	_ =	shalt  }
0x76: {  	_ =	shalt  }
0x77: {  	_ =	shalt  }
0x78: {  	_ =	shalt  }
0x79: {  	_ =	shalt  }
0x7a: {  	_ =	shalt  }
0x7b: {  	_ =	shalt  }
0x7c: {  	_ =	shalt  }
0x7d: {  	_ =	shalt  }
0x7e: {  	_ =	shalt  }
0x7f: {  	_ =	shalt  }
0x80: {  	_ =	shalt  }
0x81: {  	_ =	shalt  }
0x82: {  	_ =	shalt  }
0x83: {  	_ =	shalt  }
0x84: {  	_ =	shalt  }
0x85: {  	_ =	shalt  }
0x86: {  	_ =	shalt  }
0x87: {  	_ =	shalt  }
.Lfunc_end0:
.L_simem_size_0:
called_computation_lowered:
.L_overlay_start_0:
0x88: {  	s2 =	sld [smem:$0x3FD9]  }
0x89: {  	s3 =	sld [smem:$0x3FFE];
	_ =	sdelay $0x1  }
0x8a: {  	s1 =	srdreg.scid  }
0x8b: {  	s0 =	sand.u32 $0x1, s1  }
0x8c: {  	s17 =	sshll.u32 s0, $0xA;
	s2 =	sadd.s32 s3, s2  }
0x8d: {  	s2 =	sadd.s32 s2, s17  }
0x8e: {  	[smem:$0x3FC3] =	sst s2  }
0x8f: {  	_ = 	snop  }
0x90: {  	s2 =	sld [smem:$0x3FC9]  }
0x91: {  	s18 =	sld [smem:$0x3FC8];
	(tm) =	ssettm $0x1  }
0x92: {  	s4 =	sld [smem:$0x3FFB];
	_ =	sdelay $0x3  }
0x93: {  	_ =	strace s4  }
0x94: {  	s4 =	sld [smem:$0x3FFC];
	_ =	sdelay $0x3  }
0x95: {  	_ =	strace s4  }
0x96: {  	s4 =	sld [smem:$0x3FFD];
	_ =	sdelay $0x3  }
0x97: {  	_ =	strace s4  }
0x98: {  	_ =	strace $0x8FFFFFFF  }
0x99: {  	s19 =	sld [smem:$0x3FDB];
	_ =	sdelay $0x1  }
0x9a: {  	s5 =	simm.s32 $_scs_section_size  }
0x9b: {  	s6 =	simm.s32 $_size__tile_overlayer_lowered;
	s7 =	simm.s32 $_tile_overlayer_lowered  }
0x9c: {  	s22 =	simm.s32 $0x1BFF;
	s21 =	sshll.u32 s7, $0x1;
	s4 =	sadd.s32 s5, s19  }
0x9d: {  	s8 =	simm.s32 $0x0;
	s20 =	sshll.u32 s6, $0x1;
	s6 =	sadd.s32 s21, s4  }
0x9e: {  	[timem:s8], [sflag:s22] =	dma.local [hbm:s6], s20  }
0x9f: {  	_ =	swait.ge [sflag:s22], s20  }
0xa0: {  	s5 =	ssub.s32 $0x0, s20;
	[sflag:s22] =	ssyncset.done $0x0  }
0xa1: {  	[sflag:s22] =	ssyncadd.s32 s5;
	_ =	sdelay $0x1  }
0xa2: {  	s23 =	simm.s32 $0x1B8B  }
0xa3: {  	_ =	swait.ge [sflag:s23], $0x1  }
0xa4: {  	[sflag:s23] =	ssyncset.done $0x0  }
0xa5: {  	s25 =	simm.s32 $0x1B8E;
	s24 =	sld [smem:$0x3FFE];
	[sflag:s23] =	ssyncadd.s32 $0xFFFFFFFF  }
0xa6: {  	s26 =	simm.s32 $execute0_lowered;
	[smem:$0x3FD2] =	sst s25  }
0xa7: {  	s6 =	sshll.u32 s26, $0x1;
	_ =	strace $0x80000046;
	[dreg:$0x1] =	wrdreg $0xFFFFFFFF  }
0xa8: {  	s28 =	simm.s32 $_size_execute0_lowered;
	s4 =	sadd.s32 s4, s6;
	[dreg:$0x0] =	wrdreg $0x0  }
0xa9: {  	s6 =	sshll.u32 s28, $0x1;
	[dreg:$0x2] =	wrdreg s4  }
0xaa: {  	[dreg:$0x3] =	wrdreg s6  }
0xab: {  	[dreg:$0x4] =	wrdreg $0xC0  }
0xac: {  	_ =	task [dreg:s8], $0x5FFFF  }
0xad: {  	[dreg:$0x1] =	wrdreg $0xFFFFFFFF  }
0xae: {  	[dreg:$0x0] =	wrdreg $0x60  }
0xaf: {  	[dreg:$0x2] =	wrdreg s24  }
0xb0: {  	[dreg:$0x3] =	wrdreg s2  }
0xb1: {  	[dreg:$0x4] =	wrdreg s18  }
0xb2: {  	[dreg:$0x5] =	wrdreg $0x9  }
0xb3: {  	_ =	task.clear_ibuf [dreg:s8], $0x6FFFF;
	_ =	strace $0x90000046  }
0xb4: {  	s29 =	simm.s32 $0x9;
	_ =	strace $0x80000048  }
0xb5: {  	_ =	swait.ge [sflag:s29], $0x1  }
0xb6: {  	[sflag:s29] =	ssyncadd.s32 $0xFFFFFFFF  }
0xb7: {  	_ =	strace $0x90000048  }
0xb8: {  	_ =	sfence  }
0xb9: {  	s30 =	sld [smem:$0x0];
	_ =	sdelay $0x2  }
0xba: {  	s31 =	sshll.u32 s1, $0xD;
	s1 =	sshrl.u32 s1, $0x2  }
0xbb: {  	s3 =	sand.u32 $0x4000, s31;
	s1 =	sadd.s32 s1, s30  }
0xbc: {  	s0 =	sor.u32 s3, s0;
	s1 =	sshll.u32 s1, $0x11  }
0xbd: {  	s0 =	sor.u32 s1, s0  }
0xbe: {  	s0 =	sadd.s32 $0x8F2B, s0  }
0xbf: {  	[sflag:s0] =	ssyncadd.remote.s32 $0x1  }
0xc0: {  	_ =	sfence.sel $0xFFFF  }
0xc1: {  	[dreg:$0x0] =	wrdreg $0xFFFFFFFF;
	(pc) =	sbr.abs _section_cstart, $3  }
0xc2: {  	[dreg:$0x1] =	wrdreg $0xFFFFFFFF  }
0xc3: {  	_ =	task.clear_ibuf [dreg:s8], $0x2FFFF;
	_ =	strace $0x9FFFFFFF  }
0xc4: {  	(tm) =	ssettm $0x7FFFFFFF  }
0xc5: {  	_ =	shalt  }
tec
execute0_lowered:
.L_overlay_start_1:
0x0: {  	(tag) =	ssettag $0x1  }
0x1: {  	s0 =	rddreg [dreg:$0x0]  }
0x2: {  	s2 =	rddreg [dreg:$0x1]  }
0x3: {  	s8 =	rddreg [dreg:$0x2];
	s1 =	simm.s32 $0x0  }
0x4: {  	s5 =	srdreg.scid;
	s6 =	stileid.u32;
	s12 =	simm.s32 $0x2  }
0x5: {  	s13 =	simm.s32 $0x200;
	s14 =	simm.s32 $0x80;
	s21 =	simm.s32 $0x280  }
0x6: {  	s24 =	simm.s32 $0x100;
	s28 =	simm.s32 $0x300;
	s29 =	simm.s32 $0x900  }
0x7: {  	s30 =	simm.s32 $0xB00;
	s31 =	simm.s32 $0x180;
	s15 =	simm.s32 $0x380  }
0x8: {  	s16 =	simm.s32 $0x980;
	s17 =	simm.s32 $0xB80;
	s18 =	simm.s32 $0x1  }
0x9: {  	s19 =	simm.s32 $0xC00;
	s20 =	simm.s32 $0xE00;
	s22 =	simm.s32 $0x0  }
0xa: {  	[smem:$0x7FF] =	sst s1;
	s3 =	sadd.s32 $0x1000, s0;
	s4 =	sadd.s32 $0x20400, s0  }
0xb: {  	s5 =	sand.u32 $0x1, s5;
	s6 =	sshll.u32 s6, $0x7;
	_ =	strace $0x80000047  }
0xc: {  	s7 =	sshll.u32 s5, $0x6;
	s9 =	ssub.s32 $0x2, s5;
	s5 =	sadd.s32 $0x3F800, s0  }
0xd: {  	s10 =	sor.u32 s7, s6;
	s26 =	sshrl.u32 s9, $0x1;
	s6 =	sadd.s32 $0x5EC00, s0  }
0xe: {  	s0 =	sadd.s32 s10, s0;
	s11 =	ssub.s32 s9, s26;
	s7 =	sadd.s32 s2, s10  }
0xf: {  	s8 =	sadd.s32 s8, s10;
	s2 =	simm.s32 $0x780;
	s9 =	sadd.s32 $0x7E000, s0  }
0x10: {  	s10 =	sadd.s32 $0x7E800, s0;
	s11 =	smax.u32 s11, $0x1;
	s0 =	simm.s32 $0x580  }
.LBB2_1:
0x11: {  	[tilespmem:s1], [sflag:$0x2] =	stream.linear.gather [hbm4b:s7+s1], $0x200, $0x38;
	[tilespmem:$0x1000] =	vst v63  }
0x12: {  	_ =	swait.ge [sflag:s12], $0x200  }
0x13: {  	[sflag:s12] =	ssyncset.done $0x0  }
0x14: {  	[sflag:s12] =	ssyncadd.s32 $0xFFFFFE00  }
0x15: {  	[tilespmem:s13], [sflag:$0x2] =	stream.linear.gather [hbm4b:s8+s1], $0x200, $0x38;
	[tilespmem:$0x1000] =	vst v63  }
0x16: {  	_ =	swait.ge [sflag:s12], $0x200  }
0x17: {  	[sflag:s12] =	ssyncset.done $0x0  }
0x18: {  	s23 =	simm.s32 $0x400;
	[sflag:s12] =	ssyncadd.s32 $0xFFFFFE00  }
0x19: {  	[tilespmem:s23], [sflag:$0x1] =	stream.indirect.gather [hbm4b:s3+s14], $0x1, s1, s14, $0xb8;
	[tilespmem:$0x1000] =	vst v63  }
0x1a: {  	s26 =	simm.s32 $0x600  }
0x1b: {  	[tilespmem:s26], [sflag:$0x1] =	stream.indirect.gather [hbm4b:s4+s14], $0x1, s1, s14, $0xb8;
	[tilespmem:$0x1000] =	vst v63  }
0x1c: {  	s25 =	simm.s32 $0x800  }
0x1d: {  	[tilespmem:s25], [sflag:$0x1] =	stream.indirect.gather [hbm4b:s5+s14], $0x1, s13, s14, $0xb8;
	[tilespmem:$0x1000] =	vst v63  }
0x1e: {  	s26 =	simm.s32 $0xA00  }
0x1f: {  	[tilespmem:s26], [sflag:$0x1] =	stream.indirect.gather [hbm4b:s6+s14], $0x1, s13, s14, $0xb8;
	[tilespmem:$0x1000] =	vst v63  }
0x20: {  	s25 =	simm.s32 $0x480  }
0x21: {  	[tilespmem:s25], [sflag:$0x1] =	stream.indirect.gather [hbm4b:s3+s14], $0x1, s14, s14, $0xb8;
	[tilespmem:$0x1000] =	vst v63  }
0x22: {  	s26 =	simm.s32 $0x680  }
0x23: {  	[tilespmem:s26], [sflag:$0x1] =	stream.indirect.gather [hbm4b:s4+s14], $0x1, s14, s14, $0xb8;
	[tilespmem:$0x1000] =	vst v63  }
0x24: {  	s25 =	simm.s32 $0x880  }
0x25: {  	[tilespmem:s25], [sflag:$0x1] =	stream.indirect.gather [hbm4b:s5+s14], $0x1, s21, s14, $0xb8;
	[tilespmem:$0x1000] =	vst v63  }
0x26: {  	s26 =	simm.s32 $0xA80  }
0x27: {  	[tilespmem:s26], [sflag:$0x1] =	stream.indirect.gather [hbm4b:s6+s14], $0x1, s21, s14, $0xb8;
	[tilespmem:$0x1000] =	vst v63  }
0x28: {  	s25 =	simm.s32 $0x500  }
0x29: {  	[tilespmem:s25], [sflag:$0x1] =	stream.indirect.gather [hbm4b:s3+s14], $0x1, s24, s14, $0xb8;
	[tilespmem:$0x1000] =	vst v63  }
0x2a: {  	s26 =	simm.s32 $0x700  }
0x2b: {  	[tilespmem:s26], [sflag:$0x1] =	stream.indirect.gather [hbm4b:s4+s14], $0x1, s24, s14, $0xb8;
	[tilespmem:$0x1000] =	vst v63  }
0x2c: {  	_ = 	snop  }
0x2d: {  	[tilespmem:s29], [sflag:$0x1] =	stream.indirect.gather [hbm4b:s5+s14], $0x1, s28, s14, $0xb8;
	[tilespmem:$0x1000] =	vst v63  }
0x2e: {  	_ = 	snop  }
0x2f: {  	[tilespmem:s30], [sflag:$0x1] =	stream.indirect.gather [hbm4b:s6+s14], $0x1, s28, s14, $0xb8;
	[tilespmem:$0x1000] =	vst v63  }
0x30: {  	_ = 	snop  }
0x31: {  	[tilespmem:s0], [sflag:$0x1] =	stream.indirect.gather [hbm4b:s3+s14], $0x1, s31, s14, $0xb8;
	[tilespmem:$0x1000] =	vst v63  }
0x32: {  	_ = 	snop  }
0x33: {  	[tilespmem:s2], [sflag:$0x1] =	stream.indirect.gather [hbm4b:s4+s14], $0x1, s31, s14, $0xb8;
	[tilespmem:$0x1000] =	vst v63  }
0x34: {  	_ = 	snop  }
0x35: {  	[tilespmem:s16], [sflag:$0x1] =	stream.indirect.gather [hbm4b:s5+s14], $0x1, s15, s14, $0xb8;
	[tilespmem:$0x1000] =	vst v63  }
0x36: {  	_ = 	snop  }
0x37: {  	[tilespmem:s17], [sflag:$0x1] =	stream.indirect.gather [hbm4b:s6+s14], $0x1, s15, s14, $0xb8;
	[tilespmem:$0x1000] =	vst v63  }
0x38: {  	_ =	swait.ge [sflag:s18], $0x80  }
0x39: {  	[sflag:s18] =	ssyncset.done $0x0  }
0x3a: {  	[sflag:s18] =	ssyncadd.s32 $0xFFFFFF80  }
0x3b: {  	_ =	swait.ge [sflag:s18], $0x80  }
0x3c: {  	[sflag:s18] =	ssyncset.done $0x0  }
0x3d: {  	[sflag:s18] =	ssyncadd.s32 $0xFFFFFF80  }
0x3e: {  	_ =	swait.ge [sflag:s18], $0x80  }
0x3f: {  	[sflag:s18] =	ssyncset.done $0x0  }
0x40: {  	[sflag:s18] =	ssyncadd.s32 $0xFFFFFF80  }
0x41: {  	_ =	swait.ge [sflag:s18], $0x80  }
0x42: {  	[sflag:s18] =	ssyncset.done $0x0  }
0x43: {  	[sflag:s18] =	ssyncadd.s32 $0xFFFFFF80  }
0x44: {  	_ =	swait.ge [sflag:s18], $0x80  }
0x45: {  	[sflag:s18] =	ssyncset.done $0x0  }
0x46: {  	[sflag:s18] =	ssyncadd.s32 $0xFFFFFF80  }
0x47: {  	_ =	swait.ge [sflag:s18], $0x80  }
0x48: {  	[sflag:s18] =	ssyncset.done $0x0  }
0x49: {  	[sflag:s18] =	ssyncadd.s32 $0xFFFFFF80  }
0x4a: {  	_ =	swait.ge [sflag:s18], $0x80  }
0x4b: {  	[sflag:s18] =	ssyncset.done $0x0  }
0x4c: {  	[sflag:s18] =	ssyncadd.s32 $0xFFFFFF80  }
0x4d: {  	_ =	swait.ge [sflag:s18], $0x80  }
0x4e: {  	[sflag:s18] =	ssyncset.done $0x0  }
0x4f: {  	[sflag:s18] =	ssyncadd.s32 $0xFFFFFF80  }
0x50: {  	_ =	swait.ge [sflag:s18], $0x80  }
0x51: {  	[sflag:s18] =	ssyncset.done $0x0  }
0x52: {  	[sflag:s18] =	ssyncadd.s32 $0xFFFFFF80  }
0x53: {  	_ =	swait.ge [sflag:s18], $0x80  }
0x54: {  	[sflag:s18] =	ssyncset.done $0x0  }
0x55: {  	[sflag:s18] =	ssyncadd.s32 $0xFFFFFF80  }
0x56: {  	_ =	swait.ge [sflag:s18], $0x80  }
0x57: {  	[sflag:s18] =	ssyncset.done $0x0  }
0x58: {  	[sflag:s18] =	ssyncadd.s32 $0xFFFFFF80  }
0x59: {  	_ =	swait.ge [sflag:s18], $0x80  }
0x5a: {  	[sflag:s18] =	ssyncset.done $0x0  }
0x5b: {  	[sflag:s18] =	ssyncadd.s32 $0xFFFFFF80  }
0x5c: {  	_ =	swait.ge [sflag:s18], $0x80  }
0x5d: {  	[sflag:s18] =	ssyncset.done $0x0  }
0x5e: {  	[sflag:s18] =	ssyncadd.s32 $0xFFFFFF80  }
0x5f: {  	_ =	swait.ge [sflag:s18], $0x80  }
0x60: {  	[sflag:s18] =	ssyncset.done $0x0  }
0x61: {  	[sflag:s18] =	ssyncadd.s32 $0xFFFFFF80  }
0x62: {  	_ =	swait.ge [sflag:s18], $0x80  }
0x63: {  	[sflag:s18] =	ssyncset.done $0x0  }
0x64: {  	[sflag:s18] =	ssyncadd.s32 $0xFFFFFF80  }
0x65: {  	_ =	swait.ge [sflag:s18], $0x80  }
0x66: {  	[sflag:s18] =	ssyncset.done $0x0  }
0x67: {  	s23 =	simm.s32 $0x0;
	[sflag:s18] =	ssyncadd.s32 $0xFFFFFF80  }
0x68: {  	v0 =	vld [tilespmem:s23+$0x600]  }
0x69: {  	v2 =	vld [tilespmem:s23+$0xA00]  }
0x6a: {  	v1 =	vld [tilespmem:s23+$0x400]  }
0x6b: {  	v3 =	vld [tilespmem:s23+$0x800]  }
0x6c: {  	s25 =	simm.s32 $0x40  }
.LBB2_2:
0x6d: {  	s26 =	sshra.s32 s25, $0x2;
	p0 =	sne.s32 s25, $0x7C0  }
.Ltmp0:
0x6e: {  	s25 =	sadd.s32 $0x40, s25;
	v4 =	vadd.f32 v2, v0;
	v0 =	vld [tilespmem:s26+$0x600];
	(pc) =	sbr.rel @p0 .LBB2_2-.Ltmp0, $4  }
0x6f: {  	v2 =	vld [tilespmem:s26+$0xA00]  }
0x70: {  	v5 =	vadd.f32 v3, v1;
	v1 =	vld [tilespmem:s26+$0x400];
	[tilespmem:s23+$0xE00] =	vst v4  }
0x71: {  	v3 =	vld [tilespmem:s26+$0x800]  }
0x72: {  	[tilespmem:s23+$0xC00] =	vst v5;
	s23 =	smov.u32 s26  }
0x73: {  	_ =	sdelay $0x1  }
0x74: {  	v0 =	vadd.f32 v2, v0  }
0x75: {  	v1 =	vadd.f32 v3, v1  }
0x76: {  	[tilespmem:s23+$0xE00] =	vst v0  }
0x77: {  	[tilespmem:s23+$0xC00] =	vst v1  }
0x78: {  	[hbm4b:s9+s1] =	stream.linear.scatter [tilespmem:s19], [sflag:$0x2], $0x200, $0x38;
	[tilespmem:$0x1000] =	vst v63  }
0x79: {  	s22 =	sadd.s32 $0x1, s22;
	_ =	swait.ge [sflag:s12], $0x200  }
0x7a: {  	p0 =	sne.s32 s22, s11;
	[sflag:s12] =	ssyncset.done $0x0  }
.Ltmp1:
0x7b: {  	[sflag:s12] =	ssyncadd.s32 $0xFFFFFE00;
	(pc) =	sbr.rel @p0 .LBB2_1-.Ltmp1, $4  }
0x7c: {  	[hbm4b:s10+s1] =	stream.linear.scatter [tilespmem:s20], [sflag:$0x2], $0x200, $0x38;
	[tilespmem:$0x1000] =	vst v63  }
0x7d: {  	_ =	swait.ge [sflag:s12], $0x200  }
0x7e: {  	[sflag:s12] =	ssyncset.done $0x0  }
0x7f: {  	[sflag:s12] =	ssyncadd.s32 $0xFFFFFE00  }
0x80: {  	_ =	sfence.sel $0x180000  }
0x81: {  	[bflag:$0x0] =	sbarrier.arrive $0xFFFF  }
0x82: {  	_ =	strace $0x90000047  }
0x83: {  	s0 =	stileid.u32;
	[bflag:$0x2] =	sbarrier.arrive $0xFFFF  }
0x84: {  	p0 =	sne.s32 s0, $0x0;
	s0 =	rddreg [dreg:$0x3]  }
0x85: {  	s0 =	sadd.s32 @!p0 $0x100000, s0  }
0x86: {  	[sflag:s0] =	ssyncadd.tile.s32 @!p0 $0x1;
	_ =	shalt  }
.Lfunc_end2:
_tile_overlayer_lowered:
.L_overlay_start_2:
0x87: {  	(tag) =	ssettag $0x2  }
0x88: {  	s0 =	rddreg [dreg:$0x0];
	s2 =	stileid.u32  }
0x89: {  	s1 =	rddreg [dreg:$0x1];
	p0 =	sne.s32 s2, $0x0  }
0x8a: {  	s3 =	rddreg [dreg:$0x2];
	[bflag:$0x3] =	sbarrier.arrive $0xFFFF;
	s2 =	simm.s32 @!p0 $0x1C02  }
0x8b: {  	[timem:s3], [sflag:s2] =	dma.local @!p0 [hbm:s0], s1  }
0x8c: {  	s0 =	simm.s32 @!p0 $0x2  }
0x8d: {  	_ =	swait.ge @!p0 [sflag:s0], s1  }
0x8e: {  	s1 =	ssub.s32 @!p0 $0x0, s1;
	[sflag:s0] =	ssyncset.done @!p0 $0x0  }
0x8f: {  	[sflag:s0] =	ssyncadd.s32 @!p0 s1  }
0x90: {  	[bflag:$0x3] =	sbarrier.arrive $0xFFFF  }
0x91: {  	_ =	shalt  }

</sc_bundles>
